<compile_context>
chip_gen: v7x
topology: tpu7x:2x2x1
jax: 0.10.2.dev20260603
libtpu: 0.0.44.dev20260713+nightly
codegen_flags: <defaults>
</compile_context>

<pallas_src>
import functools

import jax
import jax.numpy as jnp
from jax import lax
from jax.experimental import pallas as pl
from jax.experimental.pallas import tpu as pltpu
from jax.experimental.pallas import tpu_sc as plsc

_VOCAB = 8
_EMB = 32
_CTX = 2


def _sc_body(x_hbm, emb_hbm, w_hbm, b_hbm, out_hbm,
             x_s, emb_s, w_s, b_s, out_s, sem):
    cp_x = pltpu.async_copy(x_hbm, x_s, sem)
    cp_e = pltpu.async_copy(emb_hbm, emb_s, sem)
    cp_w = pltpu.async_copy(w_hbm, w_s, sem)
    cp_b = pltpu.async_copy(b_hbm, b_s, sem)
    cp_x.wait()
    cp_e.wait()
    cp_w.wait()
    cp_b.wait()

    base0 = x_s[0] * _EMB
    base1 = x_s[1] * _EMB

    def step(j, accs):
        e0 = emb_s[base0 + j]
        e1 = emb_s[base1 + j]
        return tuple(
            accs[v] + w_s[v * _EMB * _CTX + j] * e0
                    + w_s[v * _EMB * _CTX + _EMB + j] * e1
            for v in range(_VOCAB)
        )

    accs = lax.fori_loop(0, _EMB, step,
                         tuple(b_s[v] for v in range(_VOCAB)))
    for v in range(_VOCAB):
        out_s[v] = accs[v]
    pltpu.sync_copy(out_s, out_hbm.at[0])


_sc_call = functools.partial(
    pl.kernel,
    mesh=plsc.ScalarSubcoreMesh(axis_name="c", num_cores=1),
    out_type=jax.ShapeDtypeStruct((1, _VOCAB), jnp.float32),
    scratch_types=[
        pltpu.SMEM((_CTX,), jnp.int32),
        pltpu.SMEM((_VOCAB * _EMB,), jnp.float32),
        pltpu.SMEM((_VOCAB * _EMB * _CTX,), jnp.float32),
        pltpu.SMEM((_VOCAB,), jnp.float32),
        pltpu.SMEM((_VOCAB,), jnp.float32),
        pltpu.SemaphoreType.DMA,
    ],
    compiler_params=pltpu.CompilerParams(needs_layout_passes=False),
)(_sc_body)


def kernel(x, emb, W, b):
    return _sc_call(x.astype(jnp.int32), emb.reshape(-1), W.reshape(-1), b)

# --- scband reference (transcript-rebuilt; emitter-appended) ---
"""Pipeline reference for scband-model-30159260352894 (READ-ONLY COPY).

The authoritative reference and input builder live on the scoring server;
editing this copy changes nothing except your own understanding.
"""

import jax, jax.numpy as jnp
import numpy as np

VOCAB = 8  # len(set('привет друг как ты привет как дела как ты сегодня как жизнь идет друг как жизнь'.split()))
CONTEXT = 2
EMB_DIM = 32


def setup_inputs(seed: int = 0) -> dict:
    key = jax.random.key(seed)
    k_x, k_emb, k_w, k_b = jax.random.split(key, 4)
    x = jax.random.randint(k_x, (CONTEXT,), 0, VOCAB, dtype=jnp.int64 if jax.config.jax_enable_x64 else jnp.int32)
    emb = jax.random.normal(k_emb, (VOCAB, EMB_DIM), dtype=jnp.float32)
    # nn.Linear(64, 8): weight [out, in], bias [out]
    W = jax.random.normal(k_w, (VOCAB, EMB_DIM * CONTEXT), dtype=jnp.float32) * (1.0 / np.sqrt(EMB_DIM * CONTEXT))
    b = jax.random.normal(k_b, (VOCAB,), dtype=jnp.float32) * 0.01
    return {"x": x, "emb": emb, "W": W, "b": b}


def reference(x, emb, W, b):
    # x: int[CONTEXT]; emb: [VOCAB, 32]; Linear(32*CONTEXT -> VOCAB)
    e = jnp.take(emb, x, axis=0)          # [CONTEXT, 32] gather (embedding lookup)
    e = e.reshape(1, -1)                   # [1, 64]  (torch .view(1, -1))
    out = e @ W.T + b                      # [1, VOCAB]
    return out

if __name__ == "__main__":
    import jax
    _d = setup_inputs()
    print(jax.jit(kernel)(*tuple(_d.values())))

</pallas_src>

<mosaic_0001>
#map = affine_map<(d0) -> (0)>
#map1 = affine_map<(d0) -> (0, 0)>
module attributes {stable_mosaic.version = 14 : i64} {
  func.func @_sc_body(%arg0: i32, %arg1: memref<2xi32, #tpu.memory_space<hbm>>, %arg2: memref<256xf32, #tpu.memory_space<hbm>>, %arg3: memref<512xf32, #tpu.memory_space<hbm>>, %arg4: memref<8xf32, #tpu.memory_space<hbm>>, %arg5: memref<1x8xf32, #tpu.memory_space<hbm>>, %arg6: memref<2xi32, #tpu.memory_space<smem>>, %arg7: memref<256xf32, #tpu.memory_space<smem>>, %arg8: memref<512xf32, #tpu.memory_space<smem>>, %arg9: memref<8xf32, #tpu.memory_space<smem>>, %arg10: memref<8xf32, #tpu.memory_space<smem>>, %arg11: memref<!tpu.dma_semaphore, #tpu.memory_space<semaphore_mem>>) attributes {dimension_semantics = [#tpu.dimension_semantics<core_parallel>], iteration_bounds = array<i64: 1>, scalar_prefetch = 0 : i64, scratch_operands = 6 : i64, tpu.core_type = #tpu.core_type<sc_scalar_subcore>, window_params = [{transform_indices = #map}, {transform_indices = #map}, {transform_indices = #map}, {transform_indices = #map}, {transform_indices = #map1}]} {
    tpu.enqueue_dma source(%arg1 : memref<2xi32, #tpu.memory_space<hbm>>) target(%arg6 : memref<2xi32, #tpu.memory_space<smem>>) target_semaphore(%arg11 : memref<!tpu.dma_semaphore, #tpu.memory_space<semaphore_mem>>)
    tpu.enqueue_dma source(%arg2 : memref<256xf32, #tpu.memory_space<hbm>>) target(%arg7 : memref<256xf32, #tpu.memory_space<smem>>) target_semaphore(%arg11 : memref<!tpu.dma_semaphore, #tpu.memory_space<semaphore_mem>>)
    tpu.enqueue_dma source(%arg3 : memref<512xf32, #tpu.memory_space<hbm>>) target(%arg8 : memref<512xf32, #tpu.memory_space<smem>>) target_semaphore(%arg11 : memref<!tpu.dma_semaphore, #tpu.memory_space<semaphore_mem>>)
    tpu.enqueue_dma source(%arg4 : memref<8xf32, #tpu.memory_space<hbm>>) target(%arg9 : memref<8xf32, #tpu.memory_space<smem>>) target_semaphore(%arg11 : memref<!tpu.dma_semaphore, #tpu.memory_space<semaphore_mem>>)
    tpu.wait_dma2 semaphore(%arg11 : memref<!tpu.dma_semaphore, #tpu.memory_space<semaphore_mem>>) src(%arg1 : memref<2xi32, #tpu.memory_space<hbm>>) dst(%arg6 : memref<2xi32, #tpu.memory_space<smem>>)
    tpu.wait_dma2 semaphore(%arg11 : memref<!tpu.dma_semaphore, #tpu.memory_space<semaphore_mem>>) src(%arg2 : memref<256xf32, #tpu.memory_space<hbm>>) dst(%arg7 : memref<256xf32, #tpu.memory_space<smem>>)
    tpu.wait_dma2 semaphore(%arg11 : memref<!tpu.dma_semaphore, #tpu.memory_space<semaphore_mem>>) src(%arg3 : memref<512xf32, #tpu.memory_space<hbm>>) dst(%arg8 : memref<512xf32, #tpu.memory_space<smem>>)
    tpu.wait_dma2 semaphore(%arg11 : memref<!tpu.dma_semaphore, #tpu.memory_space<semaphore_mem>>) src(%arg4 : memref<8xf32, #tpu.memory_space<hbm>>) dst(%arg9 : memref<8xf32, #tpu.memory_space<smem>>)
    %get3A = arith.constant 0 : i32
    %get3A_0 = arith.index_cast %get3A : i32 to index
    %get3A_1 = memref.load %arg6[%get3A_0] : memref<2xi32, #tpu.memory_space<smem>>
    %mul3A = arith.constant 32 : i32
    %mul3A_2 = arith.muli %get3A_1, %mul3A : i32
    %get3A_3 = arith.constant 1 : i32
    %get3A_4 = arith.index_cast %get3A_3 : i32 to index
    %get3A_5 = memref.load %arg6[%get3A_4] : memref<2xi32, #tpu.memory_space<smem>>
    %mul3A_6 = arith.constant 32 : i32
    %mul3A_7 = arith.muli %get3A_5, %mul3A_6 : i32
    %get3A_8 = arith.constant 0 : i32
    %get3A_9 = arith.index_cast %get3A_8 : i32 to index
    %get3A_10 = memref.load %arg9[%get3A_9] : memref<8xf32, #tpu.memory_space<smem>>
    %get3A_11 = arith.constant 1 : i32
    %get3A_12 = arith.index_cast %get3A_11 : i32 to index
    %get3A_13 = memref.load %arg9[%get3A_12] : memref<8xf32, #tpu.memory_space<smem>>
    %get3A_14 = arith.constant 2 : i32
    %get3A_15 = arith.index_cast %get3A_14 : i32 to index
    %get3A_16 = memref.load %arg9[%get3A_15] : memref<8xf32, #tpu.memory_space<smem>>
    %get3A_17 = arith.constant 3 : i32
    %get3A_18 = arith.index_cast %get3A_17 : i32 to index
    %get3A_19 = memref.load %arg9[%get3A_18] : memref<8xf32, #tpu.memory_space<smem>>
    %get3A_20 = arith.constant 4 : i32
    %get3A_21 = arith.index_cast %get3A_20 : i32 to index
    %get3A_22 = memref.load %arg9[%get3A_21] : memref<8xf32, #tpu.memory_space<smem>>
    %get3A_23 = arith.constant 5 : i32
    %get3A_24 = arith.index_cast %get3A_23 : i32 to index
    %get3A_25 = memref.load %arg9[%get3A_24] : memref<8xf32, #tpu.memory_space<smem>>
    %get3A_26 = arith.constant 6 : i32
    %get3A_27 = arith.index_cast %get3A_26 : i32 to index
    %get3A_28 = memref.load %arg9[%get3A_27] : memref<8xf32, #tpu.memory_space<smem>>
    %get3A_29 = arith.constant 7 : i32
    %get3A_30 = arith.index_cast %get3A_29 : i32 to index
    %get3A_31 = memref.load %arg9[%get3A_30] : memref<8xf32, #tpu.memory_space<smem>>
    %scan3A = arith.constant 0 : i32
    %scan3A_32 = arith.constant 32 : i32
    %scan3A_33 = arith.addi %scan3A, %scan3A_32 : i32
    %scan3A_34 = arith.constant 1 : i32
    %scan3A_35:8 = scf.for %scan3A_60 = %scan3A to %scan3A_33 step %scan3A_34 iter_args(%scan3A_61 = %get3A_10, %scan3A_62 = %get3A_13, %scan3A_63 = %get3A_16, %scan3A_64 = %get3A_19, %scan3A_65 = %get3A_22, %scan3A_66 = %get3A_25, %scan3A_67 = %get3A_28, %scan3A_68 = %get3A_31) -> (f32, f32, f32, f32, f32, f32, f32, f32)  : i32 {
      %add3A = arith.addi %mul3A_2, %scan3A_60 : i32
      %get3A_69 = arith.index_cast %add3A : i32 to index
      %get3A_70 = memref.load %arg7[%get3A_69] : memref<256xf32, #tpu.memory_space<smem>>
      %add3A_71 = arith.addi %mul3A_7, %scan3A_60 : i32
      %get3A_72 = arith.index_cast %add3A_71 : i32 to index
      %get3A_73 = memref.load %arg7[%get3A_72] : memref<256xf32, #tpu.memory_space<smem>>
      %add3A_74 = arith.constant 0 : i32
      %add3A_75 = arith.addi %add3A_74, %scan3A_60 : i32
      %get3A_76 = arith.index_cast %add3A_75 : i32 to index
      %get3A_77 = memref.load %arg8[%get3A_76] : memref<512xf32, #tpu.memory_space<smem>>
      %mul3A_78 = arith.mulf %get3A_77, %get3A_70 : f32
      %add3A_79 = arith.addf %scan3A_61, %mul3A_78 : f32
      %add3A_80 = arith.constant 32 : i32
      %add3A_81 = arith.addi %add3A_80, %scan3A_60 : i32
      %get3A_82 = arith.index_cast %add3A_81 : i32 to index
      %get3A_83 = memref.load %arg8[%get3A_82] : memref<512xf32, #tpu.memory_space<smem>>
      %mul3A_84 = arith.mulf %get3A_83, %get3A_73 : f32
      %add3A_85 = arith.addf %add3A_79, %mul3A_84 : f32
      %add3A_86 = arith.constant 64 : i32
      %add3A_87 = arith.addi %add3A_86, %scan3A_60 : i32
      %get3A_88 = arith.index_cast %add3A_87 : i32 to index
      %get3A_89 = memref.load %arg8[%get3A_88] : memref<512xf32, #tpu.memory_space<smem>>
      %mul3A_90 = arith.mulf %get3A_89, %get3A_70 : f32
      %add3A_91 = arith.addf %scan3A_62, %mul3A_90 : f32
      %add3A_92 = arith.constant 96 : i32
      %add3A_93 = arith.addi %add3A_92, %scan3A_60 : i32
      %get3A_94 = arith.index_cast %add3A_93 : i32 to index
      %get3A_95 = memref.load %arg8[%get3A_94] : memref<512xf32, #tpu.memory_space<smem>>
      %mul3A_96 = arith.mulf %get3A_95, %get3A_73 : f32
      %add3A_97 = arith.addf %add3A_91, %mul3A_96 : f32
      %add3A_98 = arith.constant 128 : i32
      %add3A_99 = arith.addi %add3A_98, %scan3A_60 : i32
      %get3A_100 = arith.index_cast %add3A_99 : i32 to index
      %get3A_101 = memref.load %arg8[%get3A_100] : memref<512xf32, #tpu.memory_space<smem>>
      %mul3A_102 = arith.mulf %get3A_101, %get3A_70 : f32
      %add3A_103 = arith.addf %scan3A_63, %mul3A_102 : f32
      %add3A_104 = arith.constant 160 : i32
      %add3A_105 = arith.addi %add3A_104, %scan3A_60 : i32
      %get3A_106 = arith.index_cast %add3A_105 : i32 to index
      %get3A_107 = memref.load %arg8[%get3A_106] : memref<512xf32, #tpu.memory_space<smem>>
      %mul3A_108 = arith.mulf %get3A_107, %get3A_73 : f32
      %add3A_109 = arith.addf %add3A_103, %mul3A_108 : f32
      %add3A_110 = arith.constant 192 : i32
      %add3A_111 = arith.addi %add3A_110, %scan3A_60 : i32
      %get3A_112 = arith.index_cast %add3A_111 : i32 to index
      %get3A_113 = memref.load %arg8[%get3A_112] : memref<512xf32, #tpu.memory_space<smem>>
      %mul3A_114 = arith.mulf %get3A_113, %get3A_70 : f32
      %add3A_115 = arith.addf %scan3A_64, %mul3A_114 : f32
      %add3A_116 = arith.constant 224 : i32
      %add3A_117 = arith.addi %add3A_116, %scan3A_60 : i32
      %get3A_118 = arith.index_cast %add3A_117 : i32 to index
      %get3A_119 = memref.load %arg8[%get3A_118] : memref<512xf32, #tpu.memory_space<smem>>
      %mul3A_120 = arith.mulf %get3A_119, %get3A_73 : f32
      %add3A_121 = arith.addf %add3A_115, %mul3A_120 : f32
      %add3A_122 = arith.constant 256 : i32
      %add3A_123 = arith.addi %add3A_122, %scan3A_60 : i32
      %get3A_124 = arith.index_cast %add3A_123 : i32 to index
      %get3A_125 = memref.load %arg8[%get3A_124] : memref<512xf32, #tpu.memory_space<smem>>
      %mul3A_126 = arith.mulf %get3A_125, %get3A_70 : f32
      %add3A_127 = arith.addf %scan3A_65, %mul3A_126 : f32
      %add3A_128 = arith.constant 288 : i32
      %add3A_129 = arith.addi %add3A_128, %scan3A_60 : i32
      %get3A_130 = arith.index_cast %add3A_129 : i32 to index
      %get3A_131 = memref.load %arg8[%get3A_130] : memref<512xf32, #tpu.memory_space<smem>>
      %mul3A_132 = arith.mulf %get3A_131, %get3A_73 : f32
      %add3A_133 = arith.addf %add3A_127, %mul3A_132 : f32
      %add3A_134 = arith.constant 320 : i32
      %add3A_135 = arith.addi %add3A_134, %scan3A_60 : i32
      %get3A_136 = arith.index_cast %add3A_135 : i32 to index
      %get3A_137 = memref.load %arg8[%get3A_136] : memref<512xf32, #tpu.memory_space<smem>>
      %mul3A_138 = arith.mulf %get3A_137, %get3A_70 : f32
      %add3A_139 = arith.addf %scan3A_66, %mul3A_138 : f32
      %add3A_140 = arith.constant 352 : i32
      %add3A_141 = arith.addi %add3A_140, %scan3A_60 : i32
      %get3A_142 = arith.index_cast %add3A_141 : i32 to index
      %get3A_143 = memref.load %arg8[%get3A_142] : memref<512xf32, #tpu.memory_space<smem>>
      %mul3A_144 = arith.mulf %get3A_143, %get3A_73 : f32
      %add3A_145 = arith.addf %add3A_139, %mul3A_144 : f32
      %add3A_146 = arith.constant 384 : i32
      %add3A_147 = arith.addi %add3A_146, %scan3A_60 : i32
      %get3A_148 = arith.index_cast %add3A_147 : i32 to index
      %get3A_149 = memref.load %arg8[%get3A_148] : memref<512xf32, #tpu.memory_space<smem>>
      %mul3A_150 = arith.mulf %get3A_149, %get3A_70 : f32
      %add3A_151 = arith.addf %scan3A_67, %mul3A_150 : f32
      %add3A_152 = arith.constant 416 : i32
      %add3A_153 = arith.addi %add3A_152, %scan3A_60 : i32
      %get3A_154 = arith.index_cast %add3A_153 : i32 to index
      %get3A_155 = memref.load %arg8[%get3A_154] : memref<512xf32, #tpu.memory_space<smem>>
      %mul3A_156 = arith.mulf %get3A_155, %get3A_73 : f32
      %add3A_157 = arith.addf %add3A_151, %mul3A_156 : f32
      %add3A_158 = arith.constant 448 : i32
      %add3A_159 = arith.addi %add3A_158, %scan3A_60 : i32
      %get3A_160 = arith.index_cast %add3A_159 : i32 to index
      %get3A_161 = memref.load %arg8[%get3A_160] : memref<512xf32, #tpu.memory_space<smem>>
      %mul3A_162 = arith.mulf %get3A_161, %get3A_70 : f32
      %add3A_163 = arith.addf %scan3A_68, %mul3A_162 : f32
      %add3A_164 = arith.constant 480 : i32
      %add3A_165 = arith.addi %add3A_164, %scan3A_60 : i32
      %get3A_166 = arith.index_cast %add3A_165 : i32 to index
      %get3A_167 = memref.load %arg8[%get3A_166] : memref<512xf32, #tpu.memory_space<smem>>
      %mul3A_168 = arith.mulf %get3A_167, %get3A_73 : f32
      %add3A_169 = arith.addf %add3A_163, %mul3A_168 : f32
      scf.yield %add3A_85, %add3A_97, %add3A_109, %add3A_121, %add3A_133, %add3A_145, %add3A_157, %add3A_169 : f32, f32, f32, f32, f32, f32, f32, f32
    }
    %scan3A_36 = arith.constant 32 : i32
    %swap3A = arith.constant 0 : i32
    %swap3A_37 = arith.index_cast %swap3A : i32 to index
    %swap3A_38 = memref.load %arg10[%swap3A_37] : memref<8xf32, #tpu.memory_space<smem>>
    memref.store %scan3A_35#0, %arg10[%swap3A_37] : memref<8xf32, #tpu.memory_space<smem>>
    %swap3A_39 = arith.constant 1 : i32
    %swap3A_40 = arith.index_cast %swap3A_39 : i32 to index
    %swap3A_41 = memref.load %arg10[%swap3A_40] : memref<8xf32, #tpu.memory_space<smem>>
    memref.store %scan3A_35#1, %arg10[%swap3A_40] : memref<8xf32, #tpu.memory_space<smem>>
    %swap3A_42 = arith.constant 2 : i32
    %swap3A_43 = arith.index_cast %swap3A_42 : i32 to index
    %swap3A_44 = memref.load %arg10[%swap3A_43] : memref<8xf32, #tpu.memory_space<smem>>
    memref.store %scan3A_35#2, %arg10[%swap3A_43] : memref<8xf32, #tpu.memory_space<smem>>
    %swap3A_45 = arith.constant 3 : i32
    %swap3A_46 = arith.index_cast %swap3A_45 : i32 to index
    %swap3A_47 = memref.load %arg10[%swap3A_46] : memref<8xf32, #tpu.memory_space<smem>>
    memref.store %scan3A_35#3, %arg10[%swap3A_46] : memref<8xf32, #tpu.memory_space<smem>>
    %swap3A_48 = arith.constant 4 : i32
    %swap3A_49 = arith.index_cast %swap3A_48 : i32 to index
    %swap3A_50 = memref.load %arg10[%swap3A_49] : memref<8xf32, #tpu.memory_space<smem>>
    memref.store %scan3A_35#4, %arg10[%swap3A_49] : memref<8xf32, #tpu.memory_space<smem>>
    %swap3A_51 = arith.constant 5 : i32
    %swap3A_52 = arith.index_cast %swap3A_51 : i32 to index
    %swap3A_53 = memref.load %arg10[%swap3A_52] : memref<8xf32, #tpu.memory_space<smem>>
    memref.store %scan3A_35#5, %arg10[%swap3A_52] : memref<8xf32, #tpu.memory_space<smem>>
    %swap3A_54 = arith.constant 6 : i32
    %swap3A_55 = arith.index_cast %swap3A_54 : i32 to index
    %swap3A_56 = memref.load %arg10[%swap3A_55] : memref<8xf32, #tpu.memory_space<smem>>
    memref.store %scan3A_35#6, %arg10[%swap3A_55] : memref<8xf32, #tpu.memory_space<smem>>
    %swap3A_57 = arith.constant 7 : i32
    %swap3A_58 = arith.index_cast %swap3A_57 : i32 to index
    %swap3A_59 = memref.load %arg10[%swap3A_58] : memref<8xf32, #tpu.memory_space<smem>>
    memref.store %scan3A_35#7, %arg10[%swap3A_58] : memref<8xf32, #tpu.memory_space<smem>>
    %run_scoped3A = arith.constant 0 : i32
    "tpu.region"() ({
      %run_scoped3A_60 = tpu.sem_alloc : memref<!tpu.dma_semaphore, #tpu.memory_space<semaphore_mem>>
      %dma_start3A = arith.constant 0 : i32
      %dma_start3A_61 = tpu.memref_slice %arg5[%run_scoped3A, %dma_start3A] : memref<1x8xf32, #tpu.memory_space<hbm>> -> memref<1x8xf32, #tpu.memory_space<hbm>>
      %dma_start3A_62 = tpu.memref_squeeze %dma_start3A_61 : memref<1x8xf32, #tpu.memory_space<hbm>> -> memref<8xf32, #tpu.memory_space<hbm>>
      tpu.enqueue_dma source(%arg10 : memref<8xf32, #tpu.memory_space<smem>>) target(%dma_start3A_62 : memref<8xf32, #tpu.memory_space<hbm>>) target_semaphore(%run_scoped3A_60 : memref<!tpu.dma_semaphore, #tpu.memory_space<semaphore_mem>>)
      %dma_wait3A = arith.constant 0 : i32
      %dma_wait3A_63 = tpu.memref_slice %arg5[%run_scoped3A, %dma_wait3A] : memref<1x8xf32, #tpu.memory_space<hbm>> -> memref<1x8xf32, #tpu.memory_space<hbm>>
      %dma_wait3A_64 = tpu.memref_squeeze %dma_wait3A_63 : memref<1x8xf32, #tpu.memory_space<hbm>> -> memref<8xf32, #tpu.memory_space<hbm>>
      tpu.wait_dma2 semaphore(%run_scoped3A_60 : memref<!tpu.dma_semaphore, #tpu.memory_space<semaphore_mem>>) src(%arg10 : memref<8xf32, #tpu.memory_space<smem>>) dst(%dma_wait3A_64 : memref<8xf32, #tpu.memory_space<hbm>>)
      tpu.yield
    }) : () -> ()
    return
  }
}

</mosaic_0001>

<sc_bundles>
// kernel: kernel.3.cloned.1.call-start
scs
__scs_entry_jumppad:
0x0: {  	(pc) =	sbr.rel $0x88, $3  }
0x1: {  	(tag) =	ssettag $0x0;
	lr =	simm.s32 $0x1  }
0x2: {  	[smem:$0x3F9D] =	sst lr;
	_ =	strace $0xD0000000  }
0x3: {  	_ = 	snop  }
0x4: {  	_ = 	snop  }
0x5: {  	_ = 	snop  }
0x6: {  	_ = 	snop  }
0x7: {  	_ = 	snop  }
__scs_overlays_trampoline_lowered:
0x8: {  	[smem:$0x3FAC] =	sst s0  }
0x9: {  	[smem:$0x3FAD] =	sst s1  }
0xa: {  	[smem:$0x3FAE] =	sst s2  }
0xb: {  	[smem:$0x3FAF] =	sst s3  }
0xc: {  	[smem:$0x3FB0] =	sst s4  }
0xd: {  	[smem:$0x3FB1] =	sst s5  }
0xe: {  	[smem:$0x3FB2] =	sst s6  }
0xf: {  	[smem:$0x3FB3] =	sst s7  }
0x10: {  	[smem:$0x3FB4] =	sst s8  }
0x11: {  	[smem:$0x3FB5] =	sst s9;
	s0 =	simm.s32 @!p0 $0x0  }
0x12: {  	s1 =	sld [smem:$0x3F9B];
	s0 =	simm.s32 @p0 $0x1  }
0x13: {  	[smem:$0x3FB6] =	sst s0;
	s0 =	simm.s32 @!p1 $0x0  }
0x14: {  	s2 =	sld [smem:$0x3F9A];
	s0 =	simm.s32 @p1 $0x1  }
0x15: {  	[smem:$0x3FB7] =	sst s0;
	s0 =	simm.s32 @!p2 $0x0  }
0x16: {  	s3 =	sld [smem:$0x3FDB];
	s0 =	simm.s32 @p2 $0x1  }
0x17: {  	s4 =	simm.s32 $0x1BF5;
	[smem:$0x3FB9] =	sst s0  }
0x18: {  	s0 =	sld [smem:$0x3F9C];
	_ =	swait.ge [sflag:s4], $0x0  }
0x19: {  	s7 =	sld [smem:$0x3F9D]  }
0x1a: {  	s8 =	sadd.s32 $0xFFFFE003, lr  }
0x1b: {  	s9 =	sadd.s32 $0xFFFFFEF7, lr;
	s5 =	simm.s32 $0xFFFFFFFF;
	p2 =	slt.u32 s8, $0xFFFFF086  }
0x1c: {  	p1 =	slt.u32 s9, $0xF7A;
	s5 =	simm.s32 @!p2 $0x0  }
0x1d: {  	s5 =	simm.s32 @p1 $0x1;
	p0 =	seq.s32 s7, s2  }
0x1e: {  	s7 =	smul.u32 @!p0 $0xF7A, s2;
	p2 =	seq.s32 @!p0 s5, $0x0  }
0x1f: {  	s9 =	smul.u32 $0xF7A, s1;
	s8 =	simm.s32 @!p0 $0x1BF5;
	p2 =	por !p2, p0  }
0x20: {  	[sflag:s8] =	ssyncset.s32 @!p0 $0xFFFFF086;
	s6 =	sadd.s32 @!p0 s3, s7;
	s7 =	simm.s32 @!p0 $0x108  }
0x21: {  	s3 =	sadd.s32 s3, s9;
	s6 =	sadd.s32 @!p0 $0x88, s6;
	s7 =	simm.s32 @p2 $0x1082  }
0x22: {  	[simem:s7], [sflag:s8] =	dma.local @!p0 [hbm:s6], $0xF7A  }
0x23: {  	s9 =	sor.u32 $0xD0000000, s2;
	s6 =	simm.s32 $0x108;
	_ =	swait.ge @!p0 [sflag:s8], $0x0  }
0x24: {  	s3 =	sadd.s32 $0x88, s3;
	s6 =	simm.s32 @!p1 $0x1082;
	[sflag:s4] =	ssyncset.s32 $0xFFFFF086  }
0x25: {  	[simem:s6], [sflag:s4] =	dma.local [hbm:s3], $0xF7A  }
0x26: {  	[smem:$0x3F9D] =	sst s1;
	(tag) =	ssettag s2;
	_ =	strace s9  }
0x27: {  	s1 =	sld [smem:$0x3FAD]  }
0x28: {  	s2 =	sld [smem:$0x3FAE]  }
0x29: {  	s4 =	sld [smem:$0x3FB0]  }
0x2a: {  	p0 =	seq.s32 s5, $0x0;
	s5 =	sld [smem:$0x3FB1]  }
0x2b: {  	s6 =	sld [smem:$0x3FB2]  }
0x2c: {  	s7 =	sld [smem:$0x3FB3]  }
0x2d: {  	s3 =	simm.s32 $0x108;
	s8 =	sld [smem:$0x3FB4]  }
0x2e: {  	s3 =	simm.s32 @!p0 $0x1082;
	s9 =	sld [smem:$0x3FB5]  }
0x2f: {  	lr =	sadd.s32 s0, s3;
	s0 =	sld [smem:$0x3FAC]  }
0x30: {  	s3 =	sld [smem:$0x3FAF]  }
0x31: {  	[smem:$0x3FB8] =	sst s10  }
0x32: {  	s10 =	sld [smem:$0x3FB6];
	_ =	sdelay $0x3  }
0x33: {  	p0 =	seq.s32 s10, $0x1;
	s10 =	sld [smem:$0x3FB8];
	_ =	sdelay $0x3  }
0x34: {  	[smem:$0x3FB8] =	sst s10  }
0x35: {  	s10 =	sld [smem:$0x3FB7];
	_ =	sdelay $0x3  }
0x36: {  	p1 =	seq.s32 s10, $0x1;
	s10 =	sld [smem:$0x3FB8];
	_ =	sdelay $0x3  }
0x37: {  	[smem:$0x3FB8] =	sst s10  }
0x38: {  	s10 =	sld [smem:$0x3FB9]  }
0x39: {  	_ = 	snop;
	(pc) =	sbr.ind lr, $3  }
0x3a: {  	_ = 	snop  }
0x3b: {  	_ = 	snop  }
0x3c: {  	p2 =	seq.s32 s10, $0x1;
	s10 =	sld [smem:$0x3FB8]  }
0x3d: {  	_ =	shalt  }
0x3e: {  	_ =	shalt  }
0x3f: {  	_ =	shalt  }
0x40: {  	_ =	shalt  }
0x41: {  	_ =	shalt  }
0x42: {  	_ =	shalt  }
0x43: {  	_ =	shalt  }
0x44: {  	_ =	shalt  }
0x45: {  	_ =	shalt  }
0x46: {  	_ =	shalt  }
0x47: {  	_ =	shalt  }
0x48: {  	_ =	shalt  }
0x49: {  	_ =	shalt  }
0x4a: {  	_ =	shalt  }
0x4b: {  	_ =	shalt  }
0x4c: {  	_ =	shalt  }
0x4d: {  	_ =	shalt  }
0x4e: {  	_ =	shalt  }
0x4f: {  	_ =	shalt  }
0x50: {  	_ =	shalt  }
0x51: {  	_ =	shalt  }
0x52: {  	_ =	shalt  }
0x53: {  	_ =	shalt  }
0x54: {  	_ =	shalt  }
0x55: {  	_ =	shalt  }
0x56: {  	_ =	shalt  }
0x57: {  	_ =	shalt  }
0x58: {  	_ =	shalt  }
0x59: {  	_ =	shalt  }
0x5a: {  	_ =	shalt  }
0x5b: {  	_ =	shalt  }
0x5c: {  	_ =	shalt  }
0x5d: {  	_ =	shalt  }
0x5e: {  	_ =	shalt  }
0x5f: {  	_ =	shalt  }
0x60: {  	_ =	shalt  }
0x61: {  	_ =	shalt  }
0x62: {  	_ =	shalt  }
0x63: {  	_ =	shalt  }
0x64: {  	_ =	shalt  }
0x65: {  	_ =	shalt  }
0x66: {  	_ =	shalt  }
0x67: {  	_ =	shalt  }
0x68: {  	_ =	shalt  }
0x69: {  	_ =	shalt  }
0x6a: {  	_ =	shalt  }
0x6b: {  	_ =	shalt  }
0x6c: {  	_ =	shalt  }
0x6d: {  	_ =	shalt  }
0x6e: {  	_ =	shalt  }
0x6f: {  	_ =	shalt  }
0x70: {  	_ =	shalt  }
0x71: {  	_ =	shalt  }
0x72: {  	_ =	shalt  }
0x73: {  	_ =	shalt  }
0x74: {  	_ =	shalt  }
0x75: {  	_ =	shalt  }
0x76: {  	_ =	shalt  }
0x77: {  	_ =	shalt  }
0x78: {  	_ =	shalt  }
0x79: {  	_ =	shalt  }
0x7a: {  	_ =	shalt  }
0x7b: {  	_ =	shalt  }
0x7c: {  	_ =	shalt  }
0x7d: {  	_ =	shalt  }
0x7e: {  	_ =	shalt  }
0x7f: {  	_ =	shalt  }
0x80: {  	_ =	shalt  }
0x81: {  	_ =	shalt  }
0x82: {  	_ =	shalt  }
0x83: {  	_ =	shalt  }
0x84: {  	_ =	shalt  }
0x85: {  	_ =	shalt  }
0x86: {  	_ =	shalt  }
0x87: {  	_ =	shalt  }
.Lfunc_end0:
.L_simem_size_0:
called_computation_lowered:
.L_overlay_start_0:
0x88: {  	s0 =	sld [smem:$0x3FD9]  }
0x89: {  	s1 =	sld [smem:$0x3FFE];
	_ =	sdelay $0x3  }
0x8a: {  	s0 =	sadd.s32 s1, s0  }
0x8b: {  	[smem:$0x3FC4] =	sst s0  }
0x8c: {  	_ = 	snop  }
0x8d: {  	s13 =	sld [smem:$0x3FC9]  }
0x8e: {  	s2 =	sld [smem:$0x3FC6]  }
0x8f: {  	s0 =	sld [smem:$0x3FD0];
	(tm) =	ssettm $0x1  }
0x90: {  	s3 =	sld [smem:$0x3FFB];
	_ =	sdelay $0x3  }
0x91: {  	_ =	strace s3  }
0x92: {  	s3 =	sld [smem:$0x3FFC];
	_ =	sdelay $0x3  }
0x93: {  	_ =	strace s3  }
0x94: {  	s3 =	sld [smem:$0x3FFD];
	_ =	sdelay $0x3  }
0x95: {  	_ =	strace s3  }
0x96: {  	s14 =	simm.s32 $0x1B8B;
	_ =	strace $0x8FFFFFFF  }
0x97: {  	_ =	swait.ge [sflag:s14], $0x1  }
0x98: {  	[sflag:s14] =	ssyncset.done $0x0  }
0x99: {  	s4 =	simm.s32 $0x1B8E;
	s15 =	sld [smem:$0x3FFE];
	[sflag:s14] =	ssyncadd.s32 $0xFFFFFFFF  }
0x9a: {  	s16 =	simm.s32 $0x9;
	s5 =	simm.s32 $0x10;
	[smem:$0x3FD2] =	sst s4  }
0x9b: {  	s18 =	simm.s32 $0x90;
	s20 =	simm.s32 $0x190;
	_ =	strace $0x80000046  }
0x9c: {  	[smem:s5], [sflag:s16] =	dma.local [hbm:s13], $0x10  }
0x9d: {  	s21 =	simm.s32 $0x390;
	s17 =	sadd.s32 $0x600, s15;
	s19 =	sadd.s32 $0x800, s15  }
0x9e: {  	[smem:s18], [sflag:s16] =	dma.local [hbm:s17], $0x20  }
0x9f: {  	[smem:s20], [sflag:s16] =	dma.local [hbm:s19], $0x40  }
0xa0: {  	[smem:s21], [sflag:s16] =	dma.local [hbm:s2], $0x10  }
0xa1: {  	_ =	swait.ge [sflag:s16], $0x10  }
0xa2: {  	[sflag:s16] =	ssyncset.done $0x0  }
0xa3: {  	[sflag:s16] =	ssyncadd.s32 $0xFFFFFFF0;
	_ =	sdelay $0x2  }
0xa4: {  	_ =	swait.ge [sflag:s16], $0x20  }
0xa5: {  	[sflag:s16] =	ssyncset.done $0x0  }
0xa6: {  	[sflag:s16] =	ssyncadd.s32 $0xFFFFFFE0;
	_ =	sdelay $0x2  }
0xa7: {  	_ =	swait.ge [sflag:s16], $0x40  }
0xa8: {  	[sflag:s16] =	ssyncset.done $0x0  }
0xa9: {  	[sflag:s16] =	ssyncadd.s32 $0xFFFFFFC0;
	_ =	sdelay $0x2  }
0xaa: {  	_ =	swait.ge [sflag:s16], $0x10  }
0xab: {  	[sflag:s16] =	ssyncset.done $0x0  }
0xac: {  	[sflag:s16] =	ssyncadd.s32 $0xFFFFFFF0  }
0xad: {  	s4 =	sld [smem:$0x10]  }
0xae: {  	s22 =	sld [smem:$0x11]  }
0xaf: {  	s9 =	sld [smem:$0x390]  }
0xb0: {  	s10 =	sld [smem:$0x391]  }
0xb1: {  	s13 =	sld [smem:$0x392]  }
0xb2: {  	s17 =	sld [smem:$0x393]  }
0xb3: {  	s6 =	sld [smem:$0x394]  }
0xb4: {  	s5 =	sld [smem:$0x395];
	s23 =	sshll.u32 s22, $0x7  }
0xb5: {  	s1 =	sld [smem:$0x396];
	s24 =	sshra.s32 s23, $0x2  }
0xb6: {  	s15 =	simm.s32 $0x0;
	s2 =	sld [smem:$0x397];
	s7 =	sadd.s32 $0x90, s24  }
0xb7: {  	s3 =	sld [smem:s7+s15]  }
0xb8: {  	s18 =	sld [smem:$0x1B0]  }
0xb9: {  	s19 =	sld [smem:$0x1F0]  }
0xba: {  	s20 =	sld [smem:$0x230]  }
0xbb: {  	s22 =	sld [smem:$0x270]  }
0xbc: {  	s16 =	sld [smem:$0x2B0]  }
0xbd: {  	s4 =	sshll.u32 s4, $0x7;
	s14 =	sld [smem:$0x2F0]  }
0xbe: {  	s4 =	sshra.s32 s4, $0x2;
	s12 =	sld [smem:$0x330]  }
0xbf: {  	s8 =	sadd.s32 $0x90, s4;
	s11 =	sld [smem:$0x370]  }
0xc0: {  	s15 =	sld [smem:s8+s15]  }
0xc1: {  	s25 =	sld [smem:$0x190]  }
0xc2: {  	s21 =	sld [smem:$0x1D0];
	_ =	sdelay $0x1  }
0xc3: {  	s23 =	sld [smem:$0x210]  }
0xc4: {  	s24 =	sld [smem:$0x250];
	s4 =	smul.f32 s25, s15  }
0xc5: {  	s25 =	sld [smem:$0x290];
	s21 =	smul.f32 s21, s15  }
0xc6: {  	s4 =	sadd.f32 s4, s9  }
0xc7: {  	s26 =	smul.f32 s18, s3;
	s10 =	sadd.f32 s21, s10  }
0xc8: {  	s29 =	smul.f32 s23, s15;
	s21 =	sld [smem:$0x2D0]  }
0xc9: {  	s9 =	sadd.f32 s26, s4  }
0xca: {  	s28 =	smul.f32 s19, s3;
	s13 =	sadd.f32 s29, s13  }
0xcb: {  	s30 =	smul.f32 s24, s15;
	s19 =	sld [smem:$0x310]  }
0xcc: {  	s31 =	smul.f32 s20, s3;
	s10 =	sadd.f32 s28, s10  }
0xcd: {  	s22 =	smul.f32 s22, s3;
	s18 =	sadd.f32 s30, s17  }
0xce: {  	s4 =	srdreg.scid;
	s20 =	sld [smem:$0x350]  }
0xcf: {  	s23 =	smul.f32 s25, s15;
	s17 =	simm.s32 $0x4;
	s13 =	sadd.f32 s31, s13  }
.LBB1_1:
0xd0: {  	p0 =	sne.s32 s17, $0x7C;
	s18 =	sadd.f32 s22, s18;
	s21 =	smul.f32 s21, s15  }
0xd1: {  	s16 =	smul.f32 s16, s3;
	s6 =	sadd.f32 s23, s6  }
0xd2: {  	s14 =	smul.f32 s14, s3;
	s5 =	sadd.f32 s21, s5  }
0xd3: {  	s6 =	sadd.f32 s16, s6;
	s16 =	smul.f32 s19, s15  }
0xd4: {  	s5 =	sadd.f32 s14, s5;
	s14 =	smul.f32 s20, s15  }
0xd5: {  	s12 =	smul.f32 s12, s3;
	s1 =	sadd.f32 s16, s1  }
0xd6: {  	s3 =	smul.f32 s11, s3;
	s2 =	sadd.f32 s14, s2  }
0xd7: {  	s1 =	sadd.f32 s12, s1  }
0xd8: {  	s20 =	sshra.s32 s17, $0x2;
	s2 =	sadd.f32 s3, s2  }
0xd9: {  	s3 =	sld [smem:s7+s20]  }
0xda: {  	s22 =	sld [smem:s20+$0x1B0]  }
0xdb: {  	s23 =	sld [smem:s20+$0x1F0]  }
0xdc: {  	s24 =	sld [smem:s20+$0x230]  }
0xdd: {  	s25 =	sld [smem:s20+$0x270]  }
0xde: {  	s16 =	sld [smem:s20+$0x2B0]  }
0xdf: {  	s14 =	sld [smem:s20+$0x2F0]  }
0xe0: {  	s12 =	sld [smem:s20+$0x330]  }
0xe1: {  	s11 =	sld [smem:s20+$0x370]  }
0xe2: {  	s15 =	sld [smem:s8+s20]  }
0xe3: {  	s19 =	sld [smem:s20+$0x190]  }
0xe4: {  	s26 =	sld [smem:s20+$0x1D0]  }
0xe5: {  	s28 =	sld [smem:s20+$0x210]  }
0xe6: {  	s29 =	sld [smem:s20+$0x250]  }
0xe7: {  	s30 =	sld [smem:s20+$0x290]  }
0xe8: {  	s31 =	smul.f32 s19, s15;
	s21 =	sld [smem:s20+$0x2D0]  }
0xe9: {  	s19 =	sld [smem:s20+$0x310]  }
0xea: {  	s26 =	smul.f32 s26, s15;
	s9 =	sadd.f32 s31, s9  }
0xeb: {  	s22 =	smul.f32 s22, s3;
	s20 =	sld [smem:s20+$0x350]  }
0xec: {  	s23 =	smul.f32 s23, s3;
	s10 =	sadd.f32 s26, s10  }
0xed: {  	s9 =	sadd.f32 s22, s9;
	s22 =	smul.f32 s28, s15  }
0xee: {  	s10 =	sadd.f32 s23, s10;
	s23 =	smul.f32 s29, s15  }
.Ltmp0:
0xef: {  	(pc) =	sbr.rel @p0 .LBB1_1-.Ltmp0, $3  }
0xf0: {  	s24 =	smul.f32 s24, s3;
	s13 =	sadd.f32 s22, s13  }
0xf1: {  	s22 =	smul.f32 s25, s3;
	s18 =	sadd.f32 s23, s18  }
0xf2: {  	s17 =	sadd.s32 $0x4, s17;
	s23 =	smul.f32 s30, s15;
	s13 =	sadd.f32 s24, s13  }
0xf3: {  	s7 =	sadd.f32 s22, s18  }
0xf4: {  	[smem:$0x410] =	sst s9  }
0xf5: {  	s8 =	smul.f32 s21, s15;
	s6 =	sadd.f32 s23, s6  }
0xf6: {  	s22 =	smul.f32 s19, s15;
	[smem:$0x411] =	sst s10  }
0xf7: {  	s5 =	sadd.f32 s8, s5  }
0xf8: {  	s16 =	smul.f32 s16, s3;
	s1 =	sadd.f32 s22, s1  }
0xf9: {  	s23 =	smul.f32 s20, s15;
	[smem:$0x412] =	sst s13  }
0xfa: {  	s6 =	sadd.f32 s16, s6  }
0xfb: {  	s21 =	smul.f32 s14, s3;
	s2 =	sadd.f32 s23, s2  }
0xfc: {  	s12 =	smul.f32 s12, s3;
	[smem:$0x413] =	sst s7  }
0xfd: {  	s24 =	smul.f32 s11, s3;
	s5 =	sadd.f32 s21, s5  }
0xfe: {  	s1 =	sadd.f32 s12, s1  }
0xff: {  	s2 =	sadd.f32 s24, s2  }
0x100: {  	[smem:$0x414] =	sst s6  }
0x101: {  	[smem:$0x415] =	sst s5  }
0x102: {  	[smem:$0x416] =	sst s1  }
0x103: {  	s25 =	simm.s32 $0x410;
	s26 =	simm.s32 $0xA;
	[smem:$0x417] =	sst s2  }
0x104: {  	[hbm:s0], [sflag:s26] =	dma.local [smem:s25], $0x10  }
0x105: {  	_ =	swait.ge [sflag:s26], $0x10  }
0x106: {  	[sflag:s26] =	ssyncset.done $0x0  }
0x107: {  	[sflag:s26] =	ssyncadd.s32 $0xFFFFFFF0  }
0x108: {  	_ =	strace $0x90000046  }
0x109: {  	_ =	sfence  }
0x10a: {  	s28 =	sld [smem:$0x0];
	_ =	sdelay $0x2  }
0x10b: {  	s29 =	sshll.u32 s4, $0xD;
	s30 =	sshrl.u32 s4, $0x2  }
0x10c: {  	s31 =	sand.u32 $0x1, s4;
	s1 =	sand.u32 $0x4000, s29;
	s0 =	sadd.s32 s30, s28  }
0x10d: {  	s1 =	sor.u32 s1, s31;
	s0 =	sshll.u32 s0, $0x11  }
0x10e: {  	s0 =	sor.u32 s0, s1  }
0x10f: {  	s0 =	sadd.s32 $0x8F2B, s0;
	(pc) =	sbr.abs _section_cstart, $3  }
0x110: {  	[sflag:s0] =	ssyncadd.remote.s32 $0x1  }
0x111: {  	_ =	strace $0x9FFFFFFF  }
0x112: {  	(tm) =	ssettm $0x7FFFFFFF  }
0x113: {  	_ =	shalt  }

</sc_bundles>
